<compile_context>
chip_gen: v7x
topology: tpu7x:2x2x1
jax: 0.10.2.dev20260603
libtpu: 0.0.44.dev20260713+nightly
codegen_flags: <defaults>
</compile_context>

<pallas_src>
import functools

import jax
import jax.numpy as jnp
from jax import lax
from jax.experimental import pallas as pl
from jax.experimental.pallas import tpu as pltpu
from jax.experimental.pallas import tpu_sc as plsc

NUM_CORES = 2
NUM_SUBCORES = 16
NW = NUM_CORES * NUM_SUBCORES
LANES = 128


def _tc_pack_table(At, blkv):
    d, vocab = At.shape
    assert blkv % LANES == 0
    grid = -(-vocab // blkv)

    def pack_kernel(at_ref, e_ref, out_ref):
        out_ref[...] = lax.dot_general(
            at_ref[...], e_ref[...], (((0,), (0,)), ((), ())),
            preferred_element_type=jnp.float32)

    return pl.pallas_call(
        pack_kernel,
        grid=(grid,),
        in_specs=[pl.BlockSpec((d, blkv), lambda i: (0, i)),
                  pl.BlockSpec((d, LANES), lambda i: (0, 0))],
        out_specs=pl.BlockSpec((blkv, LANES), lambda i: (i, 0)),
        out_shape=jax.ShapeDtypeStruct((vocab, LANES), jnp.float32),
        compiler_params=pltpu.CompilerParams(
            dimension_semantics=("parallel",)),
    )(At, jnp.eye(d, LANES, dtype=jnp.float32))


def _sc_gather(table, idx, chunk):
    n = idx.shape[0]
    d = table.shape[1]
    b_per_w = n // NW
    nch = b_per_w // chunk
    assert b_per_w * NW == n and nch * chunk == b_per_w and chunk % 8 == 0

    mesh = plsc.VectorSubcoreMesh(core_axis_name="c", subcore_axis_name="s")

    @functools.partial(
        pl.kernel,
        mesh=mesh,
        out_type=jax.ShapeDtypeStruct((n, d), table.dtype),
        scratch_types=[
            pltpu.VMEM((b_per_w,), jnp.int32),
            pltpu.VMEM((chunk, d), table.dtype),
            pltpu.VMEM((chunk, d), table.dtype),
            pltpu.SemaphoreType.DMA,
            pltpu.SemaphoreType.DMA,
            pltpu.SemaphoreType.DMA,
            pltpu.SemaphoreType.DMA,
        ],
        compiler_params=pltpu.CompilerParams(use_tc_tiling_on_sc=False),
    )
    def gather_kernel(table_hbm, idx_hbm, out_hbm, idx_v, buf0, buf1,
                      gs0, gs1, os0, os1):
        wid = lax.axis_index("s") * NUM_CORES + lax.axis_index("c")
        base = wid * b_per_w
        pltpu.sync_copy(idx_hbm.at[pl.ds(base, b_per_w)], idx_v)

        bufs = (buf0, buf1)
        gsems = (gs0, gs1)
        osems = (os0, os1)

        def start_gather(c, buf, sem):
            return pltpu.async_copy(
                table_hbm.at[idx_v.at[pl.ds(c * chunk, chunk)]], buf, sem)

        gcp = [start_gather(0, bufs[0], gsems[0]), None]
        ocp = [None, None]
        for c in range(nch):
            cur = c & 1
            nxt = 1 - cur
            if c + 1 < nch:
                if ocp[nxt] is not None:
                    ocp[nxt].wait()
                gcp[nxt] = start_gather(c + 1, bufs[nxt], gsems[nxt])
            gcp[cur].wait()
            ocp[cur] = pltpu.async_copy(
                bufs[cur], out_hbm.at[pl.ds(base + c * chunk, chunk)],
                osems[cur])
        for cp in ocp:
            if cp is not None:
                cp.wait()

    return gather_kernel(table, idx)


def _tc_project_t(emb512, W_pad, bias_col, bblk):
    batch, fl = emb512.shape
    nrow = W_pad.shape[0]
    assert batch % bblk == 0

    def proj_kernel(emb_ref, w_ref, b_ref, out_ref):
        out_ref[...] = (
            lax.dot_general(w_ref[...], emb_ref[...],
                            (((1,), (1,)), ((), ())),
                            preferred_element_type=jnp.float32)
            + b_ref[...]
        )

    return pl.pallas_call(
        proj_kernel,
        grid=(batch // bblk,),
        in_specs=[
            pl.BlockSpec((bblk, fl), lambda i: (i, 0)),
            pl.BlockSpec((nrow, fl), lambda i: (0, 0)),
            pl.BlockSpec((nrow, 1), lambda i: (0, 0)),
        ],
        out_specs=pl.BlockSpec((nrow, bblk), lambda i: (0, i)),
        out_shape=jax.ShapeDtypeStruct((nrow, batch), jnp.float32),
        compiler_params=pltpu.CompilerParams(
            dimension_semantics=("parallel",)),
    )(emb512, W_pad, bias_col)


def kernel(x, A, B_w, B_b):
    batch, fields = x.shape
    vocab, rank = A.shape
    embed = B_w.shape[0]
    fpad = 32

    pack = LANES // rank
    table = _tc_pack_table(A.T, blkv=8192).reshape(vocab * pack, rank)

    idx = jnp.concatenate([x, x[:, :fpad - fields]], axis=1).reshape(
        batch * fpad) * pack
    emb = _sc_gather(table, idx, chunk=2048)
    emb512 = emb.reshape(batch, fpad * rank)

    W_pad = jnp.kron(jnp.eye(fields, fpad, dtype=jnp.float32), B_w)
    bias_col = jnp.tile(B_b, fields).reshape(fields * embed, 1)
    out_t = _tc_project_t(emb512, W_pad, bias_col, bblk=1024)

    return out_t.reshape(fields, embed, batch).transpose(2, 0, 1)

# --- scband reference (transcript-rebuilt; emitter-appended) ---
"""Pipeline reference for scband-low-rank-embedding-33148557590889 (READ-ONLY COPY).

The authoritative reference and input builder live on the scoring server;
editing this copy changes nothing except your own understanding.
"""

import jax, jax.numpy as jnp
import numpy as np

VOCAB = 1000000
RANK = 16
EMBED = 64
BATCH = 16384
FIELDS = 26

def setup_inputs(seed: int = 0) -> dict:
    key = jax.random.key(seed)
    k1, k2, k3, k4 = jax.random.split(key, 4)
    x = jax.random.randint(k1, (BATCH, FIELDS), 0, VOCAB, dtype=jnp.int32)
    A = jax.random.normal(k2, (VOCAB, RANK), dtype=jnp.float32)
    B_w = jax.random.normal(k3, (EMBED, RANK), dtype=jnp.float32) * (1.0 / np.sqrt(RANK))
    B_b = jax.random.normal(k4, (EMBED,), dtype=jnp.float32) * 0.01
    return {"x": x, "A": A, "B_w": B_w, "B_b": B_b}

def reference(x, A, B_w, B_b):
    # nn.Embedding: gather rows of A
    emb = jnp.take(A, x, axis=0)            # [B, F, rank]
    # nn.Linear: emb @ W^T + b
    out = jnp.einsum('bfr,er->bfe', emb, B_w) + B_b  # [B, F, embed]
    return out

if __name__ == "__main__":
    import jax
    _d = setup_inputs()
    print(jax.jit(kernel)(*tuple(_d.values())))

</pallas_src>

<mosaic_0001>
#map = affine_map<(d0, d1) -> (0, 0)>
#map1 = affine_map<(d0, d1) -> (0)>
module attributes {stable_mosaic.version = 14 : i64} {
  func.func @gather_kernel(%arg0: i32, %arg1: i32, %arg2: memref<8000000x16xf32, #tpu.memory_space<hbm>>, %arg3: memref<524288xi32, #tpu.memory_space<hbm>>, %arg4: memref<524288x16xf32, #tpu.memory_space<hbm>>, %arg5: memref<16384xi32, #tpu.memory_space<vmem>>, %arg6: memref<2048x16xf32, #tpu.memory_space<vmem>>, %arg7: memref<2048x16xf32, #tpu.memory_space<vmem>>, %arg8: memref<!tpu.dma_semaphore, #tpu.memory_space<semaphore_mem>>, %arg9: memref<!tpu.dma_semaphore, #tpu.memory_space<semaphore_mem>>, %arg10: memref<!tpu.dma_semaphore, #tpu.memory_space<semaphore_mem>>, %arg11: memref<!tpu.dma_semaphore, #tpu.memory_space<semaphore_mem>>) attributes {dimension_semantics = [#tpu.dimension_semantics<core_parallel>, #tpu.dimension_semantics<subcore_parallel>], iteration_bounds = array<i64: 2, 16>, scalar_prefetch = 0 : i64, scratch_operands = 7 : i64, tpu.core_type = #tpu.core_type<sc_vector_subcore>, window_params = [{transform_indices = #map}, {transform_indices = #map1}, {transform_indices = #map}]} {
    %mul3A = arith.constant 2 : i32
    %mul3A_0 = arith.muli %arg1, %mul3A : i32
    %add3A = arith.addi %mul3A_0, %arg0 : i32
    %mul3A_1 = arith.constant 16384 : i32
    %mul3A_2 = arith.muli %add3A, %mul3A_1 : i32
    "tpu.region"() ({
      %run_scoped3A = tpu.sem_alloc : memref<!tpu.dma_semaphore, #tpu.memory_space<semaphore_mem>>
      %dma_start3A_161 = tpu.memref_slice %arg3[%mul3A_2] : memref<524288xi32, #tpu.memory_space<hbm>> -> memref<16384xi32, #tpu.memory_space<hbm>>
      %dma_start3A_162 = tpu.memref_slice %arg3[%mul3A_2] : memref<524288xi32, #tpu.memory_space<hbm>> -> memref<16384xi32, #tpu.memory_space<hbm>>
      tpu.enqueue_dma source(%dma_start3A_162 : memref<16384xi32, #tpu.memory_space<hbm>>) target(%arg5 : memref<16384xi32, #tpu.memory_space<vmem>>) target_semaphore(%run_scoped3A : memref<!tpu.dma_semaphore, #tpu.memory_space<semaphore_mem>>)
      %dma_wait3A_163 = tpu.memref_slice %arg3[%mul3A_2] : memref<524288xi32, #tpu.memory_space<hbm>> -> memref<16384xi32, #tpu.memory_space<hbm>>
      %dma_wait3A_164 = tpu.memref_slice %arg3[%mul3A_2] : memref<524288xi32, #tpu.memory_space<hbm>> -> memref<16384xi32, #tpu.memory_space<hbm>>
      tpu.wait_dma2 semaphore(%run_scoped3A : memref<!tpu.dma_semaphore, #tpu.memory_space<semaphore_mem>>) src(%dma_wait3A_164 : memref<16384xi32, #tpu.memory_space<hbm>>) dst(%arg5 : memref<16384xi32, #tpu.memory_space<vmem>>)
      tpu.yield
    }) : () -> ()
    %dma_start3A = arith.constant 0 : i32
    %dma_start3A_3 = tpu.memref_slice %arg5[%dma_start3A] : memref<16384xi32, #tpu.memory_space<vmem>> -> memref<2048xi32, #tpu.memory_space<vmem>>
    %dma_start3A_4 = arith.constant 0 : i32
    %dma_start3A_5 = arith.constant 0 : i32
    %dma_start3A_6 = tpu.memref_slice %arg2[%dma_start3A_4, %dma_start3A_5] : memref<8000000x16xf32, #tpu.memory_space<hbm>> -> memref<8000000x16xf32, #tpu.memory_space<hbm>>
    tpu.enqueue_indirect_dma source(%dma_start3A_6 : memref<8000000x16xf32, #tpu.memory_space<hbm>>) target(%arg6 : memref<2048x16xf32, #tpu.memory_space<vmem>>) offsets(%dma_start3A_3 : memref<2048xi32, #tpu.memory_space<vmem>>) semaphore(%arg8 : memref<!tpu.dma_semaphore, #tpu.memory_space<semaphore_mem>>)
    %dma_start3A_7 = arith.constant 2048 : i32
    %dma_start3A_8 = tpu.memref_slice %arg5[%dma_start3A_7] : memref<16384xi32, #tpu.memory_space<vmem>> -> memref<2048xi32, #tpu.memory_space<vmem>>
    %dma_start3A_9 = arith.constant 0 : i32
    %dma_start3A_10 = arith.constant 0 : i32
    %dma_start3A_11 = tpu.memref_slice %arg2[%dma_start3A_9, %dma_start3A_10] : memref<8000000x16xf32, #tpu.memory_space<hbm>> -> memref<8000000x16xf32, #tpu.memory_space<hbm>>
    tpu.enqueue_indirect_dma source(%dma_start3A_11 : memref<8000000x16xf32, #tpu.memory_space<hbm>>) target(%arg7 : memref<2048x16xf32, #tpu.memory_space<vmem>>) offsets(%dma_start3A_8 : memref<2048xi32, #tpu.memory_space<vmem>>) semaphore(%arg9 : memref<!tpu.dma_semaphore, #tpu.memory_space<semaphore_mem>>)
    %dma_wait3A = arith.constant 0 : i32
    %dma_wait3A_12 = tpu.memref_slice %arg5[%dma_wait3A] : memref<16384xi32, #tpu.memory_space<vmem>> -> memref<2048xi32, #tpu.memory_space<vmem>>
    %dma_wait3A_13 = arith.constant 0 : i32
    %dma_wait3A_14 = arith.constant 0 : i32
    %dma_wait3A_15 = tpu.memref_slice %arg2[%dma_wait3A_13, %dma_wait3A_14] : memref<8000000x16xf32, #tpu.memory_space<hbm>> -> memref<8000000x16xf32, #tpu.memory_space<hbm>>
    tpu.wait_indirect_dma semaphore(%arg8 : memref<!tpu.dma_semaphore, #tpu.memory_space<semaphore_mem>>) src(%dma_wait3A_15 : memref<8000000x16xf32, #tpu.memory_space<hbm>>) dst(%arg6 : memref<2048x16xf32, #tpu.memory_space<vmem>>)
    %add3A_16 = arith.constant 0 : i32
    %add3A_17 = arith.addi %mul3A_2, %add3A_16 : i32
    %dma_start3A_18 = arith.constant 0 : i32
    %dma_start3A_19 = tpu.memref_slice %arg4[%add3A_17, %dma_start3A_18] : memref<524288x16xf32, #tpu.memory_space<hbm>> -> memref<2048x16xf32, #tpu.memory_space<hbm>>
    %dma_start3A_20 = arith.constant 0 : i32
    %dma_start3A_21 = tpu.memref_slice %arg4[%add3A_17, %dma_start3A_20] : memref<524288x16xf32, #tpu.memory_space<hbm>> -> memref<2048x16xf32, #tpu.memory_space<hbm>>
    tpu.enqueue_dma source(%arg6 : memref<2048x16xf32, #tpu.memory_space<vmem>>) target(%dma_start3A_21 : memref<2048x16xf32, #tpu.memory_space<hbm>>) target_semaphore(%arg10 : memref<!tpu.dma_semaphore, #tpu.memory_space<semaphore_mem>>)
    %dma_wait3A_22 = arith.constant 0 : i32
    %dma_wait3A_23 = tpu.memref_slice %arg4[%add3A_17, %dma_wait3A_22] : memref<524288x16xf32, #tpu.memory_space<hbm>> -> memref<2048x16xf32, #tpu.memory_space<hbm>>
    %dma_wait3A_24 = arith.constant 0 : i32
    %dma_wait3A_25 = tpu.memref_slice %arg4[%add3A_17, %dma_wait3A_24] : memref<524288x16xf32, #tpu.memory_space<hbm>> -> memref<2048x16xf32, #tpu.memory_space<hbm>>
    tpu.wait_dma2 semaphore(%arg10 : memref<!tpu.dma_semaphore, #tpu.memory_space<semaphore_mem>>) src(%arg6 : memref<2048x16xf32, #tpu.memory_space<vmem>>) dst(%dma_wait3A_25 : memref<2048x16xf32, #tpu.memory_space<hbm>>)
    %dma_start3A_26 = arith.constant 4096 : i32
    %dma_start3A_27 = tpu.memref_slice %arg5[%dma_start3A_26] : memref<16384xi32, #tpu.memory_space<vmem>> -> memref<2048xi32, #tpu.memory_space<vmem>>
    %dma_start3A_28 = arith.constant 0 : i32
    %dma_start3A_29 = arith.constant 0 : i32
    %dma_start3A_30 = tpu.memref_slice %arg2[%dma_start3A_28, %dma_start3A_29] : memref<8000000x16xf32, #tpu.memory_space<hbm>> -> memref<8000000x16xf32, #tpu.memory_space<hbm>>
    tpu.enqueue_indirect_dma source(%dma_start3A_30 : memref<8000000x16xf32, #tpu.memory_space<hbm>>) target(%arg6 : memref<2048x16xf32, #tpu.memory_space<vmem>>) offsets(%dma_start3A_27 : memref<2048xi32, #tpu.memory_space<vmem>>) semaphore(%arg8 : memref<!tpu.dma_semaphore, #tpu.memory_space<semaphore_mem>>)
    %dma_wait3A_31 = arith.constant 2048 : i32
    %dma_wait3A_32 = tpu.memref_slice %arg5[%dma_wait3A_31] : memref<16384xi32, #tpu.memory_space<vmem>> -> memref<2048xi32, #tpu.memory_space<vmem>>
    %dma_wait3A_33 = arith.constant 0 : i32
    %dma_wait3A_34 = arith.constant 0 : i32
    %dma_wait3A_35 = tpu.memref_slice %arg2[%dma_wait3A_33, %dma_wait3A_34] : memref<8000000x16xf32, #tpu.memory_space<hbm>> -> memref<8000000x16xf32, #tpu.memory_space<hbm>>
    tpu.wait_indirect_dma semaphore(%arg9 : memref<!tpu.dma_semaphore, #tpu.memory_space<semaphore_mem>>) src(%dma_wait3A_35 : memref<8000000x16xf32, #tpu.memory_space<hbm>>) dst(%arg7 : memref<2048x16xf32, #tpu.memory_space<vmem>>)
    %add3A_36 = arith.constant 2048 : i32
    %add3A_37 = arith.addi %mul3A_2, %add3A_36 : i32
    %dma_start3A_38 = arith.constant 0 : i32
    %dma_start3A_39 = tpu.memref_slice %arg4[%add3A_37, %dma_start3A_38] : memref<524288x16xf32, #tpu.memory_space<hbm>> -> memref<2048x16xf32, #tpu.memory_space<hbm>>
    %dma_start3A_40 = arith.constant 0 : i32
    %dma_start3A_41 = tpu.memref_slice %arg4[%add3A_37, %dma_start3A_40] : memref<524288x16xf32, #tpu.memory_space<hbm>> -> memref<2048x16xf32, #tpu.memory_space<hbm>>
    tpu.enqueue_dma source(%arg7 : memref<2048x16xf32, #tpu.memory_space<vmem>>) target(%dma_start3A_41 : memref<2048x16xf32, #tpu.memory_space<hbm>>) target_semaphore(%arg11 : memref<!tpu.dma_semaphore, #tpu.memory_space<semaphore_mem>>)
    %dma_wait3A_42 = arith.constant 0 : i32
    %dma_wait3A_43 = tpu.memref_slice %arg4[%add3A_37, %dma_wait3A_42] : memref<524288x16xf32, #tpu.memory_space<hbm>> -> memref<2048x16xf32, #tpu.memory_space<hbm>>
    %dma_wait3A_44 = arith.constant 0 : i32
    %dma_wait3A_45 = tpu.memref_slice %arg4[%add3A_37, %dma_wait3A_44] : memref<524288x16xf32, #tpu.memory_space<hbm>> -> memref<2048x16xf32, #tpu.memory_space<hbm>>
    tpu.wait_dma2 semaphore(%arg11 : memref<!tpu.dma_semaphore, #tpu.memory_space<semaphore_mem>>) src(%arg7 : memref<2048x16xf32, #tpu.memory_space<vmem>>) dst(%dma_wait3A_45 : memref<2048x16xf32, #tpu.memory_space<hbm>>)
    %dma_start3A_46 = arith.constant 6144 : i32
    %dma_start3A_47 = tpu.memref_slice %arg5[%dma_start3A_46] : memref<16384xi32, #tpu.memory_space<vmem>> -> memref<2048xi32, #tpu.memory_space<vmem>>
    %dma_start3A_48 = arith.constant 0 : i32
    %dma_start3A_49 = arith.constant 0 : i32
    %dma_start3A_50 = tpu.memref_slice %arg2[%dma_start3A_48, %dma_start3A_49] : memref<8000000x16xf32, #tpu.memory_space<hbm>> -> memref<8000000x16xf32, #tpu.memory_space<hbm>>
    tpu.enqueue_indirect_dma source(%dma_start3A_50 : memref<8000000x16xf32, #tpu.memory_space<hbm>>) target(%arg7 : memref<2048x16xf32, #tpu.memory_space<vmem>>) offsets(%dma_start3A_47 : memref<2048xi32, #tpu.memory_space<vmem>>) semaphore(%arg9 : memref<!tpu.dma_semaphore, #tpu.memory_space<semaphore_mem>>)
    %dma_wait3A_51 = arith.constant 4096 : i32
    %dma_wait3A_52 = tpu.memref_slice %arg5[%dma_wait3A_51] : memref<16384xi32, #tpu.memory_space<vmem>> -> memref<2048xi32, #tpu.memory_space<vmem>>
    %dma_wait3A_53 = arith.constant 0 : i32
    %dma_wait3A_54 = arith.constant 0 : i32
    %dma_wait3A_55 = tpu.memref_slice %arg2[%dma_wait3A_53, %dma_wait3A_54] : memref<8000000x16xf32, #tpu.memory_space<hbm>> -> memref<8000000x16xf32, #tpu.memory_space<hbm>>
    tpu.wait_indirect_dma semaphore(%arg8 : memref<!tpu.dma_semaphore, #tpu.memory_space<semaphore_mem>>) src(%dma_wait3A_55 : memref<8000000x16xf32, #tpu.memory_space<hbm>>) dst(%arg6 : memref<2048x16xf32, #tpu.memory_space<vmem>>)
    %add3A_56 = arith.constant 4096 : i32
    %add3A_57 = arith.addi %mul3A_2, %add3A_56 : i32
    %dma_start3A_58 = arith.constant 0 : i32
    %dma_start3A_59 = tpu.memref_slice %arg4[%add3A_57, %dma_start3A_58] : memref<524288x16xf32, #tpu.memory_space<hbm>> -> memref<2048x16xf32, #tpu.memory_space<hbm>>
    %dma_start3A_60 = arith.constant 0 : i32
    %dma_start3A_61 = tpu.memref_slice %arg4[%add3A_57, %dma_start3A_60] : memref<524288x16xf32, #tpu.memory_space<hbm>> -> memref<2048x16xf32, #tpu.memory_space<hbm>>
    tpu.enqueue_dma source(%arg6 : memref<2048x16xf32, #tpu.memory_space<vmem>>) target(%dma_start3A_61 : memref<2048x16xf32, #tpu.memory_space<hbm>>) target_semaphore(%arg10 : memref<!tpu.dma_semaphore, #tpu.memory_space<semaphore_mem>>)
    %dma_wait3A_62 = arith.constant 0 : i32
    %dma_wait3A_63 = tpu.memref_slice %arg4[%add3A_57, %dma_wait3A_62] : memref<524288x16xf32, #tpu.memory_space<hbm>> -> memref<2048x16xf32, #tpu.memory_space<hbm>>
    %dma_wait3A_64 = arith.constant 0 : i32
    %dma_wait3A_65 = tpu.memref_slice %arg4[%add3A_57, %dma_wait3A_64] : memref<524288x16xf32, #tpu.memory_space<hbm>> -> memref<2048x16xf32, #tpu.memory_space<hbm>>
    tpu.wait_dma2 semaphore(%arg10 : memref<!tpu.dma_semaphore, #tpu.memory_space<semaphore_mem>>) src(%arg6 : memref<2048x16xf32, #tpu.memory_space<vmem>>) dst(%dma_wait3A_65 : memref<2048x16xf32, #tpu.memory_space<hbm>>)
    %dma_start3A_66 = arith.constant 8192 : i32
    %dma_start3A_67 = tpu.memref_slice %arg5[%dma_start3A_66] : memref<16384xi32, #tpu.memory_space<vmem>> -> memref<2048xi32, #tpu.memory_space<vmem>>
    %dma_start3A_68 = arith.constant 0 : i32
    %dma_start3A_69 = arith.constant 0 : i32
    %dma_start3A_70 = tpu.memref_slice %arg2[%dma_start3A_68, %dma_start3A_69] : memref<8000000x16xf32, #tpu.memory_space<hbm>> -> memref<8000000x16xf32, #tpu.memory_space<hbm>>
    tpu.enqueue_indirect_dma source(%dma_start3A_70 : memref<8000000x16xf32, #tpu.memory_space<hbm>>) target(%arg6 : memref<2048x16xf32, #tpu.memory_space<vmem>>) offsets(%dma_start3A_67 : memref<2048xi32, #tpu.memory_space<vmem>>) semaphore(%arg8 : memref<!tpu.dma_semaphore, #tpu.memory_space<semaphore_mem>>)
    %dma_wait3A_71 = arith.constant 6144 : i32
    %dma_wait3A_72 = tpu.memref_slice %arg5[%dma_wait3A_71] : memref<16384xi32, #tpu.memory_space<vmem>> -> memref<2048xi32, #tpu.memory_space<vmem>>
    %dma_wait3A_73 = arith.constant 0 : i32
    %dma_wait3A_74 = arith.constant 0 : i32
    %dma_wait3A_75 = tpu.memref_slice %arg2[%dma_wait3A_73, %dma_wait3A_74] : memref<8000000x16xf32, #tpu.memory_space<hbm>> -> memref<8000000x16xf32, #tpu.memory_space<hbm>>
    tpu.wait_indirect_dma semaphore(%arg9 : memref<!tpu.dma_semaphore, #tpu.memory_space<semaphore_mem>>) src(%dma_wait3A_75 : memref<8000000x16xf32, #tpu.memory_space<hbm>>) dst(%arg7 : memref<2048x16xf32, #tpu.memory_space<vmem>>)
    %add3A_76 = arith.constant 6144 : i32
    %add3A_77 = arith.addi %mul3A_2, %add3A_76 : i32
    %dma_start3A_78 = arith.constant 0 : i32
    %dma_start3A_79 = tpu.memref_slice %arg4[%add3A_77, %dma_start3A_78] : memref<524288x16xf32, #tpu.memory_space<hbm>> -> memref<2048x16xf32, #tpu.memory_space<hbm>>
    %dma_start3A_80 = arith.constant 0 : i32
    %dma_start3A_81 = tpu.memref_slice %arg4[%add3A_77, %dma_start3A_80] : memref<524288x16xf32, #tpu.memory_space<hbm>> -> memref<2048x16xf32, #tpu.memory_space<hbm>>
    tpu.enqueue_dma source(%arg7 : memref<2048x16xf32, #tpu.memory_space<vmem>>) target(%dma_start3A_81 : memref<2048x16xf32, #tpu.memory_space<hbm>>) target_semaphore(%arg11 : memref<!tpu.dma_semaphore, #tpu.memory_space<semaphore_mem>>)
    %dma_wait3A_82 = arith.constant 0 : i32
    %dma_wait3A_83 = tpu.memref_slice %arg4[%add3A_77, %dma_wait3A_82] : memref<524288x16xf32, #tpu.memory_space<hbm>> -> memref<2048x16xf32, #tpu.memory_space<hbm>>
    %dma_wait3A_84 = arith.constant 0 : i32
    %dma_wait3A_85 = tpu.memref_slice %arg4[%add3A_77, %dma_wait3A_84] : memref<524288x16xf32, #tpu.memory_space<hbm>> -> memref<2048x16xf32, #tpu.memory_space<hbm>>
    tpu.wait_dma2 semaphore(%arg11 : memref<!tpu.dma_semaphore, #tpu.memory_space<semaphore_mem>>) src(%arg7 : memref<2048x16xf32, #tpu.memory_space<vmem>>) dst(%dma_wait3A_85 : memref<2048x16xf32, #tpu.memory_space<hbm>>)
    %dma_start3A_86 = arith.constant 10240 : i32
    %dma_start3A_87 = tpu.memref_slice %arg5[%dma_start3A_86] : memref<16384xi32, #tpu.memory_space<vmem>> -> memref<2048xi32, #tpu.memory_space<vmem>>
    %dma_start3A_88 = arith.constant 0 : i32
    %dma_start3A_89 = arith.constant 0 : i32
    %dma_start3A_90 = tpu.memref_slice %arg2[%dma_start3A_88, %dma_start3A_89] : memref<8000000x16xf32, #tpu.memory_space<hbm>> -> memref<8000000x16xf32, #tpu.memory_space<hbm>>
    tpu.enqueue_indirect_dma source(%dma_start3A_90 : memref<8000000x16xf32, #tpu.memory_space<hbm>>) target(%arg7 : memref<2048x16xf32, #tpu.memory_space<vmem>>) offsets(%dma_start3A_87 : memref<2048xi32, #tpu.memory_space<vmem>>) semaphore(%arg9 : memref<!tpu.dma_semaphore, #tpu.memory_space<semaphore_mem>>)
    %dma_wait3A_91 = arith.constant 8192 : i32
    %dma_wait3A_92 = tpu.memref_slice %arg5[%dma_wait3A_91] : memref<16384xi32, #tpu.memory_space<vmem>> -> memref<2048xi32, #tpu.memory_space<vmem>>
    %dma_wait3A_93 = arith.constant 0 : i32
    %dma_wait3A_94 = arith.constant 0 : i32
    %dma_wait3A_95 = tpu.memref_slice %arg2[%dma_wait3A_93, %dma_wait3A_94] : memref<8000000x16xf32, #tpu.memory_space<hbm>> -> memref<8000000x16xf32, #tpu.memory_space<hbm>>
    tpu.wait_indirect_dma semaphore(%arg8 : memref<!tpu.dma_semaphore, #tpu.memory_space<semaphore_mem>>) src(%dma_wait3A_95 : memref<8000000x16xf32, #tpu.memory_space<hbm>>) dst(%arg6 : memref<2048x16xf32, #tpu.memory_space<vmem>>)
    %add3A_96 = arith.constant 8192 : i32
    %add3A_97 = arith.addi %mul3A_2, %add3A_96 : i32
    %dma_start3A_98 = arith.constant 0 : i32
    %dma_start3A_99 = tpu.memref_slice %arg4[%add3A_97, %dma_start3A_98] : memref<524288x16xf32, #tpu.memory_space<hbm>> -> memref<2048x16xf32, #tpu.memory_space<hbm>>
    %dma_start3A_100 = arith.constant 0 : i32
    %dma_start3A_101 = tpu.memref_slice %arg4[%add3A_97, %dma_start3A_100] : memref<524288x16xf32, #tpu.memory_space<hbm>> -> memref<2048x16xf32, #tpu.memory_space<hbm>>
    tpu.enqueue_dma source(%arg6 : memref<2048x16xf32, #tpu.memory_space<vmem>>) target(%dma_start3A_101 : memref<2048x16xf32, #tpu.memory_space<hbm>>) target_semaphore(%arg10 : memref<!tpu.dma_semaphore, #tpu.memory_space<semaphore_mem>>)
    %dma_wait3A_102 = arith.constant 0 : i32
    %dma_wait3A_103 = tpu.memref_slice %arg4[%add3A_97, %dma_wait3A_102] : memref<524288x16xf32, #tpu.memory_space<hbm>> -> memref<2048x16xf32, #tpu.memory_space<hbm>>
    %dma_wait3A_104 = arith.constant 0 : i32
    %dma_wait3A_105 = tpu.memref_slice %arg4[%add3A_97, %dma_wait3A_104] : memref<524288x16xf32, #tpu.memory_space<hbm>> -> memref<2048x16xf32, #tpu.memory_space<hbm>>
    tpu.wait_dma2 semaphore(%arg10 : memref<!tpu.dma_semaphore, #tpu.memory_space<semaphore_mem>>) src(%arg6 : memref<2048x16xf32, #tpu.memory_space<vmem>>) dst(%dma_wait3A_105 : memref<2048x16xf32, #tpu.memory_space<hbm>>)
    %dma_start3A_106 = arith.constant 12288 : i32
    %dma_start3A_107 = tpu.memref_slice %arg5[%dma_start3A_106] : memref<16384xi32, #tpu.memory_space<vmem>> -> memref<2048xi32, #tpu.memory_space<vmem>>
    %dma_start3A_108 = arith.constant 0 : i32
    %dma_start3A_109 = arith.constant 0 : i32
    %dma_start3A_110 = tpu.memref_slice %arg2[%dma_start3A_108, %dma_start3A_109] : memref<8000000x16xf32, #tpu.memory_space<hbm>> -> memref<8000000x16xf32, #tpu.memory_space<hbm>>
    tpu.enqueue_indirect_dma source(%dma_start3A_110 : memref<8000000x16xf32, #tpu.memory_space<hbm>>) target(%arg6 : memref<2048x16xf32, #tpu.memory_space<vmem>>) offsets(%dma_start3A_107 : memref<2048xi32, #tpu.memory_space<vmem>>) semaphore(%arg8 : memref<!tpu.dma_semaphore, #tpu.memory_space<semaphore_mem>>)
    %dma_wait3A_111 = arith.constant 10240 : i32
    %dma_wait3A_112 = tpu.memref_slice %arg5[%dma_wait3A_111] : memref<16384xi32, #tpu.memory_space<vmem>> -> memref<2048xi32, #tpu.memory_space<vmem>>
    %dma_wait3A_113 = arith.constant 0 : i32
    %dma_wait3A_114 = arith.constant 0 : i32
    %dma_wait3A_115 = tpu.memref_slice %arg2[%dma_wait3A_113, %dma_wait3A_114] : memref<8000000x16xf32, #tpu.memory_space<hbm>> -> memref<8000000x16xf32, #tpu.memory_space<hbm>>
    tpu.wait_indirect_dma semaphore(%arg9 : memref<!tpu.dma_semaphore, #tpu.memory_space<semaphore_mem>>) src(%dma_wait3A_115 : memref<8000000x16xf32, #tpu.memory_space<hbm>>) dst(%arg7 : memref<2048x16xf32, #tpu.memory_space<vmem>>)
    %add3A_116 = arith.constant 10240 : i32
    %add3A_117 = arith.addi %mul3A_2, %add3A_116 : i32
    %dma_start3A_118 = arith.constant 0 : i32
    %dma_start3A_119 = tpu.memref_slice %arg4[%add3A_117, %dma_start3A_118] : memref<524288x16xf32, #tpu.memory_space<hbm>> -> memref<2048x16xf32, #tpu.memory_space<hbm>>
    %dma_start3A_120 = arith.constant 0 : i32
    %dma_start3A_121 = tpu.memref_slice %arg4[%add3A_117, %dma_start3A_120] : memref<524288x16xf32, #tpu.memory_space<hbm>> -> memref<2048x16xf32, #tpu.memory_space<hbm>>
    tpu.enqueue_dma source(%arg7 : memref<2048x16xf32, #tpu.memory_space<vmem>>) target(%dma_start3A_121 : memref<2048x16xf32, #tpu.memory_space<hbm>>) target_semaphore(%arg11 : memref<!tpu.dma_semaphore, #tpu.memory_space<semaphore_mem>>)
    %dma_wait3A_122 = arith.constant 0 : i32
    %dma_wait3A_123 = tpu.memref_slice %arg4[%add3A_117, %dma_wait3A_122] : memref<524288x16xf32, #tpu.memory_space<hbm>> -> memref<2048x16xf32, #tpu.memory_space<hbm>>
    %dma_wait3A_124 = arith.constant 0 : i32
    %dma_wait3A_125 = tpu.memref_slice %arg4[%add3A_117, %dma_wait3A_124] : memref<524288x16xf32, #tpu.memory_space<hbm>> -> memref<2048x16xf32, #tpu.memory_space<hbm>>
    tpu.wait_dma2 semaphore(%arg11 : memref<!tpu.dma_semaphore, #tpu.memory_space<semaphore_mem>>) src(%arg7 : memref<2048x16xf32, #tpu.memory_space<vmem>>) dst(%dma_wait3A_125 : memref<2048x16xf32, #tpu.memory_space<hbm>>)
    %dma_start3A_126 = arith.constant 14336 : i32
    %dma_start3A_127 = tpu.memref_slice %arg5[%dma_start3A_126] : memref<16384xi32, #tpu.memory_space<vmem>> -> memref<2048xi32, #tpu.memory_space<vmem>>
    %dma_start3A_128 = arith.constant 0 : i32
    %dma_start3A_129 = arith.constant 0 : i32
    %dma_start3A_130 = tpu.memref_slice %arg2[%dma_start3A_128, %dma_start3A_129] : memref<8000000x16xf32, #tpu.memory_space<hbm>> -> memref<8000000x16xf32, #tpu.memory_space<hbm>>
    tpu.enqueue_indirect_dma source(%dma_start3A_130 : memref<8000000x16xf32, #tpu.memory_space<hbm>>) target(%arg7 : memref<2048x16xf32, #tpu.memory_space<vmem>>) offsets(%dma_start3A_127 : memref<2048xi32, #tpu.memory_space<vmem>>) semaphore(%arg9 : memref<!tpu.dma_semaphore, #tpu.memory_space<semaphore_mem>>)
    %dma_wait3A_131 = arith.constant 12288 : i32
    %dma_wait3A_132 = tpu.memref_slice %arg5[%dma_wait3A_131] : memref<16384xi32, #tpu.memory_space<vmem>> -> memref<2048xi32, #tpu.memory_space<vmem>>
    %dma_wait3A_133 = arith.constant 0 : i32
    %dma_wait3A_134 = arith.constant 0 : i32
    %dma_wait3A_135 = tpu.memref_slice %arg2[%dma_wait3A_133, %dma_wait3A_134] : memref<8000000x16xf32, #tpu.memory_space<hbm>> -> memref<8000000x16xf32, #tpu.memory_space<hbm>>
    tpu.wait_indirect_dma semaphore(%arg8 : memref<!tpu.dma_semaphore, #tpu.memory_space<semaphore_mem>>) src(%dma_wait3A_135 : memref<8000000x16xf32, #tpu.memory_space<hbm>>) dst(%arg6 : memref<2048x16xf32, #tpu.memory_space<vmem>>)
    %add3A_136 = arith.constant 12288 : i32
    %add3A_137 = arith.addi %mul3A_2, %add3A_136 : i32
    %dma_start3A_138 = arith.constant 0 : i32
    %dma_start3A_139 = tpu.memref_slice %arg4[%add3A_137, %dma_start3A_138] : memref<524288x16xf32, #tpu.memory_space<hbm>> -> memref<2048x16xf32, #tpu.memory_space<hbm>>
    %dma_start3A_140 = arith.constant 0 : i32
    %dma_start3A_141 = tpu.memref_slice %arg4[%add3A_137, %dma_start3A_140] : memref<524288x16xf32, #tpu.memory_space<hbm>> -> memref<2048x16xf32, #tpu.memory_space<hbm>>
    tpu.enqueue_dma source(%arg6 : memref<2048x16xf32, #tpu.memory_space<vmem>>) target(%dma_start3A_141 : memref<2048x16xf32, #tpu.memory_space<hbm>>) target_semaphore(%arg10 : memref<!tpu.dma_semaphore, #tpu.memory_space<semaphore_mem>>)
    %dma_wait3A_142 = arith.constant 14336 : i32
    %dma_wait3A_143 = tpu.memref_slice %arg5[%dma_wait3A_142] : memref<16384xi32, #tpu.memory_space<vmem>> -> memref<2048xi32, #tpu.memory_space<vmem>>
    %dma_wait3A_144 = arith.constant 0 : i32
    %dma_wait3A_145 = arith.constant 0 : i32
    %dma_wait3A_146 = tpu.memref_slice %arg2[%dma_wait3A_144, %dma_wait3A_145] : memref<8000000x16xf32, #tpu.memory_space<hbm>> -> memref<8000000x16xf32, #tpu.memory_space<hbm>>
    tpu.wait_indirect_dma semaphore(%arg9 : memref<!tpu.dma_semaphore, #tpu.memory_space<semaphore_mem>>) src(%dma_wait3A_146 : memref<8000000x16xf32, #tpu.memory_space<hbm>>) dst(%arg7 : memref<2048x16xf32, #tpu.memory_space<vmem>>)
    %add3A_147 = arith.constant 14336 : i32
    %add3A_148 = arith.addi %mul3A_2, %add3A_147 : i32
    %dma_start3A_149 = arith.constant 0 : i32
    %dma_start3A_150 = tpu.memref_slice %arg4[%add3A_148, %dma_start3A_149] : memref<524288x16xf32, #tpu.memory_space<hbm>> -> memref<2048x16xf32, #tpu.memory_space<hbm>>
    %dma_start3A_151 = arith.constant 0 : i32
    %dma_start3A_152 = tpu.memref_slice %arg4[%add3A_148, %dma_start3A_151] : memref<524288x16xf32, #tpu.memory_space<hbm>> -> memref<2048x16xf32, #tpu.memory_space<hbm>>
    tpu.enqueue_dma source(%arg7 : memref<2048x16xf32, #tpu.memory_space<vmem>>) target(%dma_start3A_152 : memref<2048x16xf32, #tpu.memory_space<hbm>>) target_semaphore(%arg11 : memref<!tpu.dma_semaphore, #tpu.memory_space<semaphore_mem>>)
    %dma_wait3A_153 = arith.constant 0 : i32
    %dma_wait3A_154 = tpu.memref_slice %arg4[%add3A_137, %dma_wait3A_153] : memref<524288x16xf32, #tpu.memory_space<hbm>> -> memref<2048x16xf32, #tpu.memory_space<hbm>>
    %dma_wait3A_155 = arith.constant 0 : i32
    %dma_wait3A_156 = tpu.memref_slice %arg4[%add3A_137, %dma_wait3A_155] : memref<524288x16xf32, #tpu.memory_space<hbm>> -> memref<2048x16xf32, #tpu.memory_space<hbm>>
    tpu.wait_dma2 semaphore(%arg10 : memref<!tpu.dma_semaphore, #tpu.memory_space<semaphore_mem>>) src(%arg6 : memref<2048x16xf32, #tpu.memory_space<vmem>>) dst(%dma_wait3A_156 : memref<2048x16xf32, #tpu.memory_space<hbm>>)
    %dma_wait3A_157 = arith.constant 0 : i32
    %dma_wait3A_158 = tpu.memref_slice %arg4[%add3A_148, %dma_wait3A_157] : memref<524288x16xf32, #tpu.memory_space<hbm>> -> memref<2048x16xf32, #tpu.memory_space<hbm>>
    %dma_wait3A_159 = arith.constant 0 : i32
    %dma_wait3A_160 = tpu.memref_slice %arg4[%add3A_148, %dma_wait3A_159] : memref<524288x16xf32, #tpu.memory_space<hbm>> -> memref<2048x16xf32, #tpu.memory_space<hbm>>
    tpu.wait_dma2 semaphore(%arg11 : memref<!tpu.dma_semaphore, #tpu.memory_space<semaphore_mem>>) src(%arg7 : memref<2048x16xf32, #tpu.memory_space<vmem>>) dst(%dma_wait3A_160 : memref<2048x16xf32, #tpu.memory_space<hbm>>)
    return
  }
}

module attributes {stable_mosaic.version = 14 : i64} {
  func.func @pack_kernel(%arg0: i32, %arg1: memref<16x8192xf32, #tpu.memory_space<vmem>>, %arg2: memref<16x128xf32, #tpu.memory_space<vmem>>, %arg3: memref<8192x128xf32, #tpu.memory_space<vmem>>) attributes {dimension_semantics = [#tpu.dimension_semantics<parallel>], iteration_bounds = array<i64: 123>, scalar_prefetch = 0 : i64, scratch_operands = 0 : i64, tpu.core_type = #tpu.core_type<tc>, window_params = [{transform_indices = @transform_0, window_bounds = array<i64: 16, 8192>}, {pipeline_mode = #tpu.pipeline_mode<synchronous>, transform_indices = @transform_1, window_bounds = array<i64: 16, 128>}, {transform_indices = @transform_2, window_bounds = array<i64: 8192, 128>}]} {
    %get3A = arith.constant 0 : index
    %get3A_0 = arith.constant 0 : index
    %get3A_1 = vector.load %arg1[%get3A, %get3A_0] : memref<16x8192xf32, #tpu.memory_space<vmem>>, vector<16x8192xf32>
    %get3A_2 = arith.constant 0 : index
    %get3A_3 = arith.constant 0 : index
    %get3A_4 = vector.load %arg2[%get3A_2, %get3A_3] : memref<16x128xf32, #tpu.memory_space<vmem>>, vector<16x128xf32>
    %dot_general3A = arith.constant dense<0.000000e+00> : vector<8192x128xf32>
    %dot_general3A_5 = tpu.matmul %get3A_1, %get3A_4, %dot_general3A {dimension_numbers = #tpu.dot_dimension_numbers<[0], [0], [1], [1], [0, 1, 1, 1], [], []>, transpose_lhs_hint = false} : vector<16x8192xf32>, vector<16x128xf32>, vector<8192x128xf32> -> vector<8192x128xf32>
    %swap3A = arith.constant 0 : index
    %swap3A_6 = arith.constant 0 : index
    %swap3A_7 = vector.load %arg3[%swap3A, %swap3A_6] : memref<8192x128xf32, #tpu.memory_space<vmem>>, vector<8192x128xf32>
    tpu.vector_store %arg3[%swap3A, %swap3A_6], %dot_general3A_5 {strides = array<i32>} : memref<8192x128xf32, #tpu.memory_space<vmem>>, vector<8192x128xf32>,
    return
  }
  func.func @transform_0(%arg0: i32) -> (i32, i32) {
    %c0_i32 = arith.constant 0 : i32
    %c0_i32_0 = arith.constant 0 : i32
    return %c0_i32, %arg0 : i32, i32
  }
  func.func @transform_1(%arg0: i32) -> (i32, i32) {
    %c0_i32 = arith.constant 0 : i32
    %c0_i32_0 = arith.constant 0 : i32
    %c0_i32_1 = arith.constant 0 : i32
    return %c0_i32, %c0_i32_0 : i32, i32
  }
  func.func @transform_2(%arg0: i32) -> (i32, i32) {
    %c0_i32 = arith.constant 0 : i32
    %c0_i32_0 = arith.constant 0 : i32
    return %arg0, %c0_i32 : i32, i32
  }
}

module attributes {stable_mosaic.version = 14 : i64} {
  func.func @proj_kernel(%arg0: i32, %arg1: memref<1024x512xf32, #tpu.memory_space<vmem>>, %arg2: memref<1664x512xf32, #tpu.memory_space<vmem>>, %arg3: memref<1664x1xf32, #tpu.memory_space<vmem>>, %arg4: memref<1664x1024xf32, #tpu.memory_space<vmem>>) attributes {dimension_semantics = [#tpu.dimension_semantics<parallel>], iteration_bounds = array<i64: 16>, scalar_prefetch = 0 : i64, scratch_operands = 0 : i64, tpu.core_type = #tpu.core_type<tc>, window_params = [{transform_indices = @transform_0, window_bounds = array<i64: 1024, 512>}, {pipeline_mode = #tpu.pipeline_mode<synchronous>, transform_indices = @transform_1, window_bounds = array<i64: 1664, 512>}, {pipeline_mode = #tpu.pipeline_mode<synchronous>, transform_indices = @transform_2, window_bounds = array<i64: 1664, 1>}, {transform_indices = @transform_3, window_bounds = array<i64: 1664, 1024>}]} {
    %get3A = arith.constant 0 : index
    %get3A_0 = arith.constant 0 : index
    %get3A_1 = vector.load %arg2[%get3A, %get3A_0] : memref<1664x512xf32, #tpu.memory_space<vmem>>, vector<1664x512xf32>
    %get3A_2 = arith.constant 0 : index
    %get3A_3 = arith.constant 0 : index
    %get3A_4 = vector.load %arg1[%get3A_2, %get3A_3] : memref<1024x512xf32, #tpu.memory_space<vmem>>, vector<1024x512xf32>
    %dot_general3A = arith.constant dense<0.000000e+00> : vector<1664x1024xf32>
    %dot_general3A_5 = tpu.matmul %get3A_1, %get3A_4, %dot_general3A {dimension_numbers = #tpu.dot_dimension_numbers<[1], [1], [0], [0], [0, 0, 1, 0], [], []>, transpose_lhs_hint = false} : vector<1664x512xf32>, vector<1024x512xf32>, vector<1664x1024xf32> -> vector<1664x1024xf32>
    %get3A_6 = arith.constant 0 : index
    %get3A_7 = arith.constant 0 : index
    %get3A_8 = vector.load %arg3[%get3A_6, %get3A_7] : memref<1664x1xf32, #tpu.memory_space<vmem>>, vector<1664x1xf32>
    %add3A = vector.broadcast %get3A_8 : vector<1664x1xf32> to vector<1664x1024xf32>
    %add3A_9 = arith.addf %dot_general3A_5, %add3A : vector<1664x1024xf32>
    %swap3A = arith.constant 0 : index
    %swap3A_10 = arith.constant 0 : index
    %swap3A_11 = vector.load %arg4[%swap3A, %swap3A_10] : memref<1664x1024xf32, #tpu.memory_space<vmem>>, vector<1664x1024xf32>
    tpu.vector_store %arg4[%swap3A, %swap3A_10], %add3A_9 {strides = array<i32>} : memref<1664x1024xf32, #tpu.memory_space<vmem>>, vector<1664x1024xf32>,
    return
  }
  func.func @transform_0(%arg0: i32) -> (i32, i32) {
    %c0_i32 = arith.constant 0 : i32
    %c0_i32_0 = arith.constant 0 : i32
    return %arg0, %c0_i32 : i32, i32
  }
  func.func @transform_1(%arg0: i32) -> (i32, i32) {
    %c0_i32 = arith.constant 0 : i32
    %c0_i32_0 = arith.constant 0 : i32
    %c0_i32_1 = arith.constant 0 : i32
    return %c0_i32, %c0_i32_0 : i32, i32
  }
  func.func @transform_2(%arg0: i32) -> (i32, i32) {
    %c0_i32 = arith.constant 0 : i32
    %c0_i32_0 = arith.constant 0 : i32
    %c0_i32_1 = arith.constant 0 : i32
    return %c0_i32, %c0_i32_0 : i32, i32
  }
  func.func @transform_3(%arg0: i32) -> (i32, i32) {
    %c0_i32 = arith.constant 0 : i32
    %c0_i32_0 = arith.constant 0 : i32
    return %c0_i32, %arg0 : i32, i32
  }
}

</mosaic_0001>

<sc_bundles>
// kernel: kernel.5.cloned.1.call-start
scs
__scs_entry_jumppad:
0x0: {  	(pc) =	sbr.rel $0x88, $3  }
0x1: {  	(tag) =	ssettag $0x0;
	lr =	simm.s32 $0x1  }
0x2: {  	[smem:$0x3F9D] =	sst lr;
	_ =	strace $0xD0000000  }
0x3: {  	_ = 	snop  }
0x4: {  	_ = 	snop  }
0x5: {  	_ = 	snop  }
0x6: {  	_ = 	snop  }
0x7: {  	_ = 	snop  }
__scs_overlays_trampoline_lowered:
0x8: {  	[smem:$0x3FAC] =	sst s0  }
0x9: {  	[smem:$0x3FAD] =	sst s1  }
0xa: {  	[smem:$0x3FAE] =	sst s2  }
0xb: {  	[smem:$0x3FAF] =	sst s3  }
0xc: {  	[smem:$0x3FB0] =	sst s4  }
0xd: {  	[smem:$0x3FB1] =	sst s5  }
0xe: {  	[smem:$0x3FB2] =	sst s6  }
0xf: {  	[smem:$0x3FB3] =	sst s7  }
0x10: {  	[smem:$0x3FB4] =	sst s8  }
0x11: {  	[smem:$0x3FB5] =	sst s9;
	s0 =	simm.s32 @!p0 $0x0  }
0x12: {  	s1 =	sld [smem:$0x3F9B];
	s0 =	simm.s32 @p0 $0x1  }
0x13: {  	[smem:$0x3FB6] =	sst s0;
	s0 =	simm.s32 @!p1 $0x0  }
0x14: {  	s2 =	sld [smem:$0x3F9A];
	s0 =	simm.s32 @p1 $0x1  }
0x15: {  	[smem:$0x3FB7] =	sst s0;
	s0 =	simm.s32 @!p2 $0x0  }
0x16: {  	s3 =	sld [smem:$0x3FDB];
	s0 =	simm.s32 @p2 $0x1  }
0x17: {  	s4 =	simm.s32 $0x1BF5;
	[smem:$0x3FB9] =	sst s0  }
0x18: {  	s0 =	sld [smem:$0x3F9C];
	_ =	swait.ge [sflag:s4], $0x0  }
0x19: {  	s7 =	sld [smem:$0x3F9D]  }
0x1a: {  	s8 =	sadd.s32 $0xFFFFE003, lr  }
0x1b: {  	s9 =	sadd.s32 $0xFFFFFEF7, lr;
	s5 =	simm.s32 $0xFFFFFFFF;
	p2 =	slt.u32 s8, $0xFFFFF086  }
0x1c: {  	p1 =	slt.u32 s9, $0xF7A;
	s5 =	simm.s32 @!p2 $0x0  }
0x1d: {  	s5 =	simm.s32 @p1 $0x1;
	p0 =	seq.s32 s7, s2  }
0x1e: {  	s7 =	smul.u32 @!p0 $0xF7A, s2;
	p2 =	seq.s32 @!p0 s5, $0x0  }
0x1f: {  	s9 =	smul.u32 $0xF7A, s1;
	s8 =	simm.s32 @!p0 $0x1BF5;
	p2 =	por !p2, p0  }
0x20: {  	[sflag:s8] =	ssyncset.s32 @!p0 $0xFFFFF086;
	s6 =	sadd.s32 @!p0 s3, s7;
	s7 =	simm.s32 @!p0 $0x108  }
0x21: {  	s3 =	sadd.s32 s3, s9;
	s6 =	sadd.s32 @!p0 $0x88, s6;
	s7 =	simm.s32 @p2 $0x1082  }
0x22: {  	[simem:s7], [sflag:s8] =	dma.local @!p0 [hbm:s6], $0xF7A  }
0x23: {  	s9 =	sor.u32 $0xD0000000, s2;
	s6 =	simm.s32 $0x108;
	_ =	swait.ge @!p0 [sflag:s8], $0x0  }
0x24: {  	s3 =	sadd.s32 $0x88, s3;
	s6 =	simm.s32 @!p1 $0x1082;
	[sflag:s4] =	ssyncset.s32 $0xFFFFF086  }
0x25: {  	[simem:s6], [sflag:s4] =	dma.local [hbm:s3], $0xF7A  }
0x26: {  	[smem:$0x3F9D] =	sst s1;
	(tag) =	ssettag s2;
	_ =	strace s9  }
0x27: {  	s1 =	sld [smem:$0x3FAD]  }
0x28: {  	s2 =	sld [smem:$0x3FAE]  }
0x29: {  	s4 =	sld [smem:$0x3FB0]  }
0x2a: {  	p0 =	seq.s32 s5, $0x0;
	s5 =	sld [smem:$0x3FB1]  }
0x2b: {  	s6 =	sld [smem:$0x3FB2]  }
0x2c: {  	s7 =	sld [smem:$0x3FB3]  }
0x2d: {  	s3 =	simm.s32 $0x108;
	s8 =	sld [smem:$0x3FB4]  }
0x2e: {  	s3 =	simm.s32 @!p0 $0x1082;
	s9 =	sld [smem:$0x3FB5]  }
0x2f: {  	lr =	sadd.s32 s0, s3;
	s0 =	sld [smem:$0x3FAC]  }
0x30: {  	s3 =	sld [smem:$0x3FAF]  }
0x31: {  	[smem:$0x3FB8] =	sst s10  }
0x32: {  	s10 =	sld [smem:$0x3FB6];
	_ =	sdelay $0x3  }
0x33: {  	p0 =	seq.s32 s10, $0x1;
	s10 =	sld [smem:$0x3FB8];
	_ =	sdelay $0x3  }
0x34: {  	[smem:$0x3FB8] =	sst s10  }
0x35: {  	s10 =	sld [smem:$0x3FB7];
	_ =	sdelay $0x3  }
0x36: {  	p1 =	seq.s32 s10, $0x1;
	s10 =	sld [smem:$0x3FB8];
	_ =	sdelay $0x3  }
0x37: {  	[smem:$0x3FB8] =	sst s10  }
0x38: {  	s10 =	sld [smem:$0x3FB9]  }
0x39: {  	_ = 	snop;
	(pc) =	sbr.ind lr, $3  }
0x3a: {  	_ = 	snop  }
0x3b: {  	_ = 	snop  }
0x3c: {  	p2 =	seq.s32 s10, $0x1;
	s10 =	sld [smem:$0x3FB8]  }
0x3d: {  	_ =	shalt  }
0x3e: {  	_ =	shalt  }
0x3f: {  	_ =	shalt  }
0x40: {  	_ =	shalt  }
0x41: {  	_ =	shalt  }
0x42: {  	_ =	shalt  }
0x43: {  	_ =	shalt  }
0x44: {  	_ =	shalt  }
0x45: {  	_ =	shalt  }
0x46: {  	_ =	shalt  }
0x47: {  	_ =	shalt  }
0x48: {  	_ =	shalt  }
0x49: {  	_ =	shalt  }
0x4a: {  	_ =	shalt  }
0x4b: {  	_ =	shalt  }
0x4c: {  	_ =	shalt  }
0x4d: {  	_ =	shalt  }
0x4e: {  	_ =	shalt  }
0x4f: {  	_ =	shalt  }
0x50: {  	_ =	shalt  }
0x51: {  	_ =	shalt  }
0x52: {  	_ =	shalt  }
0x53: {  	_ =	shalt  }
0x54: {  	_ =	shalt  }
0x55: {  	_ =	shalt  }
0x56: {  	_ =	shalt  }
0x57: {  	_ =	shalt  }
0x58: {  	_ =	shalt  }
0x59: {  	_ =	shalt  }
0x5a: {  	_ =	shalt  }
0x5b: {  	_ =	shalt  }
0x5c: {  	_ =	shalt  }
0x5d: {  	_ =	shalt  }
0x5e: {  	_ =	shalt  }
0x5f: {  	_ =	shalt  }
0x60: {  	_ =	shalt  }
0x61: {  	_ =	shalt  }
0x62: {  	_ =	shalt  }
0x63: {  	_ =	shalt  }
0x64: {  	_ =	shalt  }
0x65: {  	_ =	shalt  }
0x66: {  	_ =	shalt  }
0x67: {  	_ =	shalt  }
0x68: {  	_ =	shalt  }
0x69: {  	_ =	shalt  }
0x6a: {  	_ =	shalt  }
0x6b: {  	_ =	shalt  }
0x6c: {  	_ =	shalt  }
0x6d: {  	_ =	shalt  }
0x6e: {  	_ =	shalt  }
0x6f: {  	_ =	shalt  }
0x70: {  	_ =	shalt  }
0x71: {  	_ =	shalt  }
0x72: {  	_ =	shalt  }
0x73: {  	_ =	shalt  }
0x74: {  	_ =	shalt  }
0x75: {  	_ =	shalt  }
0x76: {  	_ =	shalt  }
0x77: {  	_ =	shalt  }
0x78: {  	_ =	shalt  }
0x79: {  	_ =	shalt  }
0x7a: {  	_ =	shalt  }
0x7b: {  	_ =	shalt  }
0x7c: {  	_ =	shalt  }
0x7d: {  	_ =	shalt  }
0x7e: {  	_ =	shalt  }
0x7f: {  	_ =	shalt  }
0x80: {  	_ =	shalt  }
0x81: {  	_ =	shalt  }
0x82: {  	_ =	shalt  }
0x83: {  	_ =	shalt  }
0x84: {  	_ =	shalt  }
0x85: {  	_ =	shalt  }
0x86: {  	_ =	shalt  }
0x87: {  	_ =	shalt  }
.Lfunc_end0:
.L_simem_size_0:
called_computation_lowered:
.L_overlay_start_0:
0x88: {  	s2 =	sld [smem:$0x3FD9]  }
0x89: {  	s3 =	sld [smem:$0x3FFE];
	_ =	sdelay $0x1  }
0x8a: {  	s1 =	srdreg.scid  }
0x8b: {  	s0 =	sand.u32 $0x1, s1  }
0x8c: {  	s17 =	sshll.u32 s0, $0xA;
	s2 =	sadd.s32 s3, s2  }
0x8d: {  	s2 =	sadd.s32 s2, s17  }
0x8e: {  	[smem:$0x3FC4] =	sst s2  }
0x8f: {  	_ = 	snop  }
0x90: {  	s2 =	sld [smem:$0x3FD0];
	(tm) =	ssettm $0x1  }
0x91: {  	s18 =	sld [smem:$0x3FFB];
	_ =	sdelay $0x3  }
0x92: {  	_ =	strace s18  }
0x93: {  	s3 =	sld [smem:$0x3FFC];
	_ =	sdelay $0x3  }
0x94: {  	_ =	strace s3  }
0x95: {  	s3 =	sld [smem:$0x3FFD];
	_ =	sdelay $0x3  }
0x96: {  	_ =	strace s3  }
0x97: {  	_ =	strace $0x8FFFFFFF  }
0x98: {  	s19 =	sld [smem:$0x3FDB];
	_ =	sdelay $0x1  }
0x99: {  	s4 =	simm.s32 $_scs_section_size  }
0x9a: {  	s5 =	simm.s32 $_size__tile_overlayer_lowered;
	s6 =	simm.s32 $_tile_overlayer_lowered  }
0x9b: {  	s22 =	simm.s32 $0x1BFF;
	s21 =	sshll.u32 s6, $0x1;
	s3 =	sadd.s32 s4, s19  }
0x9c: {  	s7 =	simm.s32 $0x0;
	s20 =	sshll.u32 s5, $0x1;
	s5 =	sadd.s32 s21, s3  }
0x9d: {  	[timem:s7], [sflag:s22] =	dma.local [hbm:s5], s20  }
0x9e: {  	_ =	swait.ge [sflag:s22], s20  }
0x9f: {  	s4 =	ssub.s32 $0x0, s20;
	[sflag:s22] =	ssyncset.done $0x0  }
0xa0: {  	[sflag:s22] =	ssyncadd.s32 s4;
	_ =	sdelay $0x1  }
0xa1: {  	s23 =	simm.s32 $0x1B8B  }
0xa2: {  	_ =	swait.ge [sflag:s23], $0x1  }
0xa3: {  	[sflag:s23] =	ssyncset.done $0x0  }
0xa4: {  	s25 =	simm.s32 $0x1B8E;
	s24 =	sld [smem:$0x3FFE];
	[sflag:s23] =	ssyncadd.s32 $0xFFFFFFFF  }
0xa5: {  	s26 =	simm.s32 $execute0_lowered;
	[smem:$0x3FD2] =	sst s25  }
0xa6: {  	s5 =	sshll.u32 s26, $0x1;
	_ =	strace $0x80000046;
	[dreg:$0x1] =	wrdreg $0xFFFFFFFF  }
0xa7: {  	s28 =	simm.s32 $_size_execute0_lowered;
	s3 =	sadd.s32 s3, s5;
	[dreg:$0x0] =	wrdreg $0x0  }
0xa8: {  	s5 =	sshll.u32 s28, $0x1;
	[dreg:$0x2] =	wrdreg s3  }
0xa9: {  	[dreg:$0x3] =	wrdreg s5  }
0xaa: {  	[dreg:$0x4] =	wrdreg $0xC0  }
0xab: {  	_ =	task [dreg:s7], $0x5FFFF  }
0xac: {  	[dreg:$0x1] =	wrdreg $0xFFFFFFFF  }
0xad: {  	[dreg:$0x0] =	wrdreg $0x60  }
0xae: {  	[dreg:$0x2] =	wrdreg s24  }
0xaf: {  	[dreg:$0x3] =	wrdreg s2  }
0xb0: {  	[dreg:$0x4] =	wrdreg $0x9  }
0xb1: {  	_ =	task.clear_ibuf [dreg:s7], $0x5FFFF;
	_ =	strace $0x90000046  }
0xb2: {  	s29 =	simm.s32 $0x9;
	_ =	strace $0x80000048  }
0xb3: {  	_ =	swait.ge [sflag:s29], $0x1  }
0xb4: {  	[sflag:s29] =	ssyncadd.s32 $0xFFFFFFFF  }
0xb5: {  	_ =	strace $0x90000048  }
0xb6: {  	_ =	sfence  }
0xb7: {  	s30 =	sld [smem:$0x0];
	_ =	sdelay $0x2  }
0xb8: {  	s31 =	sshll.u32 s1, $0xD;
	s1 =	sshrl.u32 s1, $0x2  }
0xb9: {  	s3 =	sand.u32 $0x4000, s31;
	s1 =	sadd.s32 s1, s30  }
0xba: {  	s0 =	sor.u32 s3, s0;
	s1 =	sshll.u32 s1, $0x11  }
0xbb: {  	s0 =	sor.u32 s1, s0  }
0xbc: {  	s0 =	sadd.s32 $0x8F2B, s0  }
0xbd: {  	[sflag:s0] =	ssyncadd.remote.s32 $0x1  }
0xbe: {  	_ =	sfence.sel $0xFFFF  }
0xbf: {  	[dreg:$0x0] =	wrdreg $0xFFFFFFFF;
	(pc) =	sbr.abs _section_cstart, $3  }
0xc0: {  	[dreg:$0x1] =	wrdreg $0xFFFFFFFF  }
0xc1: {  	_ =	task.clear_ibuf [dreg:s7], $0x2FFFF;
	_ =	strace $0x9FFFFFFF  }
0xc2: {  	(tm) =	ssettm $0x7FFFFFFF  }
0xc3: {  	_ =	shalt  }
tec
execute0_lowered:
.L_overlay_start_1:
0x0: {  	(tag) =	ssettag $0x1  }
0x1: {  	s1 =	srdreg.scid  }
0x2: {  	s0 =	stileid.u32;
	s26 =	sand.u32 $0x1, s1  }
0x3: {  	s31 =	sshll.u32 s0, $0xF;
	s2 =	sshll.u32 s26, $0xE  }
0x4: {  	s5 =	rddreg [dreg:$0x0];
	s11 =	sor.u32 s2, s31  }
0x5: {  	s10 =	rddreg [dreg:$0x1];
	s2 =	simm.s32 $0x0;
	s3 =	sshrl.u32 s11, $0x3  }
0x6: {  	s4 =	simm.s32 $0x5;
	[smem:$0x7FF] =	sst s2;
	s3 =	sadd.s32 s3, s5  }
0x7: {  	s1 =	rddreg [dreg:$0x2];
	_ =	strace $0x80000047;
	s3 =	sadd.s32 $0x800, s3  }
0x8: {  	[tilespmem:s2], [sflag:$0x5] =	stream.linear.gather [hbm4b:s3+s2], $0x4000, $0x38;
	[tilespmem:$0x14000] =	vst v63  }
0x9: {  	_ =	swait.ge [sflag:s4], $0x4000  }
0xa: {  	s6 =	simm.s32 $0x800;
	[sflag:s4] =	ssyncset.done $0x0  }
0xb: {  	s7 =	simm.s32 $0x4000;
	s5 =	sadd.s32 $0x10800, s5;
	[sflag:s4] =	ssyncadd.s32 $0xFFFFC000  }
0xc: {  	[tilespmem:s7], [sflag:$0x1] =	stream.indirect.gather [hbm4b:s5+s6], $0x10, s2, s6, $0xb8;
	[tilespmem:$0x14000] =	vst v63  }
0xd: {  	s8 =	simm.s32 $0xC000;
	s9 =	simm.s32 $0x1  }
0xe: {  	[tilespmem:s8], [sflag:$0x2] =	stream.indirect.gather [hbm4b:s5+s6], $0x10, s6, s6, $0xb8;
	[tilespmem:$0x14000] =	vst v63  }
0xf: {  	_ =	swait.ge [sflag:s9], $0x8000  }
0x10: {  	s11 =	sshll.u32 s11, $0x1;
	[sflag:s9] =	ssyncset.done $0x0  }
0x11: {  	s10 =	sadd.s32 s10, s11;
	s11 =	simm.s32 $0x3;
	[sflag:s9] =	ssyncadd.s32 $0xFFFF8000  }
0x12: {  	[hbm4b:s10+s2] =	stream.linear.scatter [tilespmem:s7], [sflag:$0x3], $0x8000, $0x38;
	[tilespmem:$0x14000] =	vst v63  }
0x13: {  	_ =	swait.ge [sflag:s11], $0x8000  }
0x14: {  	[sflag:s11] =	ssyncset.done $0x0  }
0x15: {  	s12 =	simm.s32 $0x1000;
	s13 =	simm.s32 $0x2;
	[sflag:s11] =	ssyncadd.s32 $0xFFFF8000  }
0x16: {  	[tilespmem:s7], [sflag:$0x1] =	stream.indirect.gather [hbm4b:s5+s6], $0x10, s12, s6, $0xb8;
	[tilespmem:$0x14000] =	vst v63  }
0x17: {  	_ =	swait.ge [sflag:s13], $0x8000  }
0x18: {  	[sflag:s13] =	ssyncset.done $0x0  }
0x19: {  	s14 =	simm.s32 $0x4;
	s15 =	sadd.s32 $0x1000, s10;
	[sflag:s13] =	ssyncadd.s32 $0xFFFF8000  }
0x1a: {  	[hbm4b:s15+s2] =	stream.linear.scatter [tilespmem:s8], [sflag:$0x4], $0x8000, $0x38;
	[tilespmem:$0x14000] =	vst v63  }
0x1b: {  	_ =	swait.ge [sflag:s14], $0x8000  }
0x1c: {  	[sflag:s14] =	ssyncset.done $0x0  }
0x1d: {  	s16 =	simm.s32 $0x1800;
	[sflag:s14] =	ssyncadd.s32 $0xFFFF8000  }
0x1e: {  	[tilespmem:s8], [sflag:$0x2] =	stream.indirect.gather [hbm4b:s5+s6], $0x10, s16, s6, $0xb8;
	[tilespmem:$0x14000] =	vst v63  }
0x1f: {  	_ =	swait.ge [sflag:s9], $0x8000  }
0x20: {  	[sflag:s9] =	ssyncset.done $0x0  }
0x21: {  	s17 =	sadd.s32 $0x2000, s10;
	[sflag:s9] =	ssyncadd.s32 $0xFFFF8000  }
0x22: {  	[hbm4b:s17+s2] =	stream.linear.scatter [tilespmem:s7], [sflag:$0x3], $0x8000, $0x38;
	[tilespmem:$0x14000] =	vst v63  }
0x23: {  	_ =	swait.ge [sflag:s11], $0x8000  }
0x24: {  	[sflag:s11] =	ssyncset.done $0x0  }
0x25: {  	s18 =	simm.s32 $0x2000;
	[sflag:s11] =	ssyncadd.s32 $0xFFFF8000  }
0x26: {  	[tilespmem:s7], [sflag:$0x1] =	stream.indirect.gather [hbm4b:s5+s6], $0x10, s18, s6, $0xb8;
	[tilespmem:$0x14000] =	vst v63  }
0x27: {  	_ =	swait.ge [sflag:s13], $0x8000  }
0x28: {  	[sflag:s13] =	ssyncset.done $0x0  }
0x29: {  	s19 =	sadd.s32 $0x3000, s10;
	[sflag:s13] =	ssyncadd.s32 $0xFFFF8000  }
0x2a: {  	[hbm4b:s19+s2] =	stream.linear.scatter [tilespmem:s8], [sflag:$0x4], $0x8000, $0x38;
	[tilespmem:$0x14000] =	vst v63  }
0x2b: {  	_ =	swait.ge [sflag:s14], $0x8000  }
0x2c: {  	[sflag:s14] =	ssyncset.done $0x0  }
0x2d: {  	s20 =	simm.s32 $0x2800;
	[sflag:s14] =	ssyncadd.s32 $0xFFFF8000  }
0x2e: {  	[tilespmem:s8], [sflag:$0x2] =	stream.indirect.gather [hbm4b:s5+s6], $0x10, s20, s6, $0xb8;
	[tilespmem:$0x14000] =	vst v63  }
0x2f: {  	_ =	swait.ge [sflag:s9], $0x8000  }
0x30: {  	[sflag:s9] =	ssyncset.done $0x0  }
0x31: {  	s21 =	sadd.s32 $0x4000, s10;
	[sflag:s9] =	ssyncadd.s32 $0xFFFF8000  }
0x32: {  	[hbm4b:s21+s2] =	stream.linear.scatter [tilespmem:s7], [sflag:$0x3], $0x8000, $0x38;
	[tilespmem:$0x14000] =	vst v63  }
0x33: {  	_ =	swait.ge [sflag:s11], $0x8000  }
0x34: {  	[sflag:s11] =	ssyncset.done $0x0  }
0x35: {  	s22 =	simm.s32 $0x3000;
	[sflag:s11] =	ssyncadd.s32 $0xFFFF8000  }
0x36: {  	[tilespmem:s7], [sflag:$0x1] =	stream.indirect.gather [hbm4b:s5+s6], $0x10, s22, s6, $0xb8;
	[tilespmem:$0x14000] =	vst v63  }
0x37: {  	_ =	swait.ge [sflag:s13], $0x8000  }
0x38: {  	[sflag:s13] =	ssyncset.done $0x0  }
0x39: {  	s23 =	sadd.s32 $0x5000, s10;
	[sflag:s13] =	ssyncadd.s32 $0xFFFF8000  }
0x3a: {  	[hbm4b:s23+s2] =	stream.linear.scatter [tilespmem:s8], [sflag:$0x4], $0x8000, $0x38;
	[tilespmem:$0x14000] =	vst v63  }
0x3b: {  	_ =	swait.ge [sflag:s14], $0x8000  }
0x3c: {  	[sflag:s14] =	ssyncset.done $0x0  }
0x3d: {  	s24 =	simm.s32 $0x3800;
	[sflag:s14] =	ssyncadd.s32 $0xFFFF8000  }
0x3e: {  	[tilespmem:s8], [sflag:$0x2] =	stream.indirect.gather [hbm4b:s5+s6], $0x10, s24, s6, $0xb8;
	[tilespmem:$0x14000] =	vst v63  }
0x3f: {  	_ =	swait.ge [sflag:s9], $0x8000  }
0x40: {  	s28 =	ssub.s32 $0x2, s26;
	[sflag:s9] =	ssyncset.done $0x0  }
0x41: {  	s29 =	sshrl.u32 s28, $0x1;
	s25 =	sadd.s32 $0x6000, s10;
	[sflag:s9] =	ssyncadd.s32 $0xFFFF8000  }
0x42: {  	[hbm4b:s25+s2] =	stream.linear.scatter [tilespmem:s7], [sflag:$0x3], $0x8000, $0x38;
	[tilespmem:$0x14000] =	vst v63  }
0x43: {  	s28 =	ssub.s32 s28, s29;
	_ =	swait.ge [sflag:s13], $0x8000  }
0x44: {  	s28 =	smax.u32 s28, $0x1;
	[sflag:s13] =	ssyncset.done $0x0  }
0x45: {  	s26 =	sadd.s32 $0x7000, s10;
	p0 =	sne.s32 s28, $0x1;
	[sflag:s13] =	ssyncadd.s32 $0xFFFF8000  }
0x46: {  	[hbm4b:s26+s2] =	stream.linear.scatter [tilespmem:s8], [sflag:$0x4], $0x8000, $0x38;
	[tilespmem:$0x14000] =	vst v63  }
.Ltmp0:
0x47: {  	_ =	swait.ge [sflag:s11], $0x8000;
	(pc) =	sbr.rel @!p0 .LBB2_2-.Ltmp0, $4  }
0x48: {  	[sflag:s11] =	ssyncset.done $0x0  }
0x49: {  	[sflag:s11] =	ssyncadd.s32 $0xFFFF8000  }
0x4a: {  	_ =	swait.ge [sflag:s14], $0x8000  }
0x4b: {  	s28 =	sadd.s32 $0xFFFFFFFF, s28;
	[sflag:s14] =	ssyncset.done $0x0  }
.LBB2_1:
0x4c: {  	p0 =	sne.s32 s28, $0x1;
	s28 =	sadd.s32 $0xFFFFFFFF, s28;
	[sflag:s14] =	ssyncadd.s32 $0xFFFF8000  }
0x4d: {  	[tilespmem:s2], [sflag:$0x5] =	stream.linear.gather [hbm4b:s3+s2], $0x4000, $0x38;
	[tilespmem:$0x14000] =	vst v63  }
0x4e: {  	_ =	swait.ge [sflag:s4], $0x4000  }
0x4f: {  	[sflag:s4] =	ssyncset.done $0x0  }
0x50: {  	[sflag:s4] =	ssyncadd.s32 $0xFFFFC000  }
0x51: {  	[tilespmem:s7], [sflag:$0x1] =	stream.indirect.gather [hbm4b:s5+s6], $0x10, s2, s6, $0xb8;
	[tilespmem:$0x14000] =	vst v63  }
0x52: {  	_ = 	snop  }
0x53: {  	[tilespmem:s8], [sflag:$0x2] =	stream.indirect.gather [hbm4b:s5+s6], $0x10, s6, s6, $0xb8;
	[tilespmem:$0x14000] =	vst v63  }
0x54: {  	_ =	swait.ge [sflag:s9], $0x8000  }
0x55: {  	[sflag:s9] =	ssyncset.done $0x0  }
0x56: {  	[sflag:s9] =	ssyncadd.s32 $0xFFFF8000  }
0x57: {  	[hbm4b:s10+s2] =	stream.linear.scatter [tilespmem:s7], [sflag:$0x3], $0x8000, $0x38;
	[tilespmem:$0x14000] =	vst v63  }
0x58: {  	_ =	swait.ge [sflag:s11], $0x8000  }
0x59: {  	[sflag:s11] =	ssyncset.done $0x0  }
0x5a: {  	[sflag:s11] =	ssyncadd.s32 $0xFFFF8000  }
0x5b: {  	[tilespmem:s7], [sflag:$0x1] =	stream.indirect.gather [hbm4b:s5+s6], $0x10, s12, s6, $0xb8;
	[tilespmem:$0x14000] =	vst v63  }
0x5c: {  	_ =	swait.ge [sflag:s13], $0x8000  }
0x5d: {  	[sflag:s13] =	ssyncset.done $0x0  }
0x5e: {  	[sflag:s13] =	ssyncadd.s32 $0xFFFF8000  }
0x5f: {  	[hbm4b:s15+s2] =	stream.linear.scatter [tilespmem:s8], [sflag:$0x4], $0x8000, $0x38;
	[tilespmem:$0x14000] =	vst v63  }
0x60: {  	_ =	swait.ge [sflag:s14], $0x8000  }
0x61: {  	[sflag:s14] =	ssyncset.done $0x0  }
0x62: {  	[sflag:s14] =	ssyncadd.s32 $0xFFFF8000  }
0x63: {  	[tilespmem:s8], [sflag:$0x2] =	stream.indirect.gather [hbm4b:s5+s6], $0x10, s16, s6, $0xb8;
	[tilespmem:$0x14000] =	vst v63  }
0x64: {  	_ =	swait.ge [sflag:s9], $0x8000  }
0x65: {  	[sflag:s9] =	ssyncset.done $0x0  }
0x66: {  	[sflag:s9] =	ssyncadd.s32 $0xFFFF8000  }
0x67: {  	[hbm4b:s17+s2] =	stream.linear.scatter [tilespmem:s7], [sflag:$0x3], $0x8000, $0x38;
	[tilespmem:$0x14000] =	vst v63  }
0x68: {  	_ =	swait.ge [sflag:s11], $0x8000  }
0x69: {  	[sflag:s11] =	ssyncset.done $0x0  }
0x6a: {  	[sflag:s11] =	ssyncadd.s32 $0xFFFF8000  }
0x6b: {  	[tilespmem:s7], [sflag:$0x1] =	stream.indirect.gather [hbm4b:s5+s6], $0x10, s18, s6, $0xb8;
	[tilespmem:$0x14000] =	vst v63  }
0x6c: {  	_ =	swait.ge [sflag:s13], $0x8000  }
0x6d: {  	[sflag:s13] =	ssyncset.done $0x0  }
0x6e: {  	[sflag:s13] =	ssyncadd.s32 $0xFFFF8000  }
0x6f: {  	[hbm4b:s19+s2] =	stream.linear.scatter [tilespmem:s8], [sflag:$0x4], $0x8000, $0x38;
	[tilespmem:$0x14000] =	vst v63  }
0x70: {  	_ =	swait.ge [sflag:s14], $0x8000  }
0x71: {  	[sflag:s14] =	ssyncset.done $0x0  }
0x72: {  	[sflag:s14] =	ssyncadd.s32 $0xFFFF8000  }
0x73: {  	[tilespmem:s8], [sflag:$0x2] =	stream.indirect.gather [hbm4b:s5+s6], $0x10, s20, s6, $0xb8;
	[tilespmem:$0x14000] =	vst v63  }
0x74: {  	_ =	swait.ge [sflag:s9], $0x8000  }
0x75: {  	[sflag:s9] =	ssyncset.done $0x0  }
0x76: {  	[sflag:s9] =	ssyncadd.s32 $0xFFFF8000  }
0x77: {  	[hbm4b:s21+s2] =	stream.linear.scatter [tilespmem:s7], [sflag:$0x3], $0x8000, $0x38;
	[tilespmem:$0x14000] =	vst v63  }
0x78: {  	_ =	swait.ge [sflag:s11], $0x8000  }
0x79: {  	[sflag:s11] =	ssyncset.done $0x0  }
0x7a: {  	[sflag:s11] =	ssyncadd.s32 $0xFFFF8000  }
0x7b: {  	[tilespmem:s7], [sflag:$0x1] =	stream.indirect.gather [hbm4b:s5+s6], $0x10, s22, s6, $0xb8;
	[tilespmem:$0x14000] =	vst v63  }
0x7c: {  	_ =	swait.ge [sflag:s13], $0x8000  }
0x7d: {  	[sflag:s13] =	ssyncset.done $0x0  }
0x7e: {  	[sflag:s13] =	ssyncadd.s32 $0xFFFF8000  }
0x7f: {  	[hbm4b:s23+s2] =	stream.linear.scatter [tilespmem:s8], [sflag:$0x4], $0x8000, $0x38;
	[tilespmem:$0x14000] =	vst v63  }
0x80: {  	_ =	swait.ge [sflag:s14], $0x8000  }
0x81: {  	[sflag:s14] =	ssyncset.done $0x0  }
0x82: {  	[sflag:s14] =	ssyncadd.s32 $0xFFFF8000  }
0x83: {  	[tilespmem:s8], [sflag:$0x2] =	stream.indirect.gather [hbm4b:s5+s6], $0x10, s24, s6, $0xb8;
	[tilespmem:$0x14000] =	vst v63  }
0x84: {  	_ =	swait.ge [sflag:s9], $0x8000  }
0x85: {  	[sflag:s9] =	ssyncset.done $0x0  }
0x86: {  	[sflag:s9] =	ssyncadd.s32 $0xFFFF8000  }
0x87: {  	[hbm4b:s25+s2] =	stream.linear.scatter [tilespmem:s7], [sflag:$0x3], $0x8000, $0x38;
	[tilespmem:$0x14000] =	vst v63  }
0x88: {  	_ =	swait.ge [sflag:s13], $0x8000  }
0x89: {  	[sflag:s13] =	ssyncset.done $0x0  }
0x8a: {  	[sflag:s13] =	ssyncadd.s32 $0xFFFF8000  }
0x8b: {  	[hbm4b:s26+s2] =	stream.linear.scatter [tilespmem:s8], [sflag:$0x4], $0x8000, $0x38;
	[tilespmem:$0x14000] =	vst v63  }
.Ltmp1:
0x8c: {  	_ =	swait.ge [sflag:s11], $0x8000;
	(pc) =	sbr.rel @p0 .LBB2_1-.Ltmp1, $4  }
0x8d: {  	[sflag:s11] =	ssyncset.done $0x0  }
0x8e: {  	[sflag:s11] =	ssyncadd.s32 $0xFFFF8000  }
0x8f: {  	_ =	swait.ge [sflag:s14], $0x8000  }
0x90: {  	[sflag:s14] =	ssyncset.done $0x0  }
.LBB2_2:
0x91: {  	[sflag:s14] =	ssyncadd.s32 $0xFFFF8000  }
0x92: {  	_ =	sfence.sel $0x180000  }
0x93: {  	[bflag:$0x0] =	sbarrier.arrive $0xFFFF  }
0x94: {  	p0 =	sne.s32 s0, $0x0;
	_ =	strace $0x90000047  }
0x95: {  	s0 =	sadd.s32 @!p0 $0x100000, s1;
	[bflag:$0x2] =	sbarrier.arrive $0xFFFF  }
0x96: {  	[sflag:s0] =	ssyncadd.tile.s32 @!p0 $0x1;
	_ =	shalt  }
.Lfunc_end2:
_tile_overlayer_lowered:
.L_overlay_start_2:
0x97: {  	(tag) =	ssettag $0x2  }
0x98: {  	s0 =	rddreg [dreg:$0x0];
	s2 =	stileid.u32  }
0x99: {  	s1 =	rddreg [dreg:$0x1];
	p0 =	sne.s32 s2, $0x0  }
0x9a: {  	s3 =	rddreg [dreg:$0x2];
	[bflag:$0x3] =	sbarrier.arrive $0xFFFF;
	s2 =	simm.s32 @!p0 $0x1C05  }
0x9b: {  	[timem:s3], [sflag:s2] =	dma.local @!p0 [hbm:s0], s1  }
0x9c: {  	s0 =	simm.s32 @!p0 $0x5  }
0x9d: {  	_ =	swait.ge @!p0 [sflag:s0], s1  }
0x9e: {  	s1 =	ssub.s32 @!p0 $0x0, s1;
	[sflag:s0] =	ssyncset.done @!p0 $0x0  }
0x9f: {  	[sflag:s0] =	ssyncadd.s32 @!p0 s1  }
0xa0: {  	[bflag:$0x3] =	sbarrier.arrive $0xFFFF  }
0xa1: {  	_ =	shalt  }

</sc_bundles>
